<compile_context>
chip_gen: v7x
topology: tpu7x:2x2x1
jax: 0.10.2.dev20260603
libtpu: 0.0.44.dev20260713+nightly
codegen_flags: <defaults>
</compile_context>

<pallas_src>
import functools

import jax
import jax.numpy as jnp
from jax import lax
from jax.experimental import pallas as pl
from jax.experimental.pallas import tpu as pltpu
from jax.experimental.pallas import tpu_sc as plsc

_N_NODES = 10000
_N_EDGES = 320000
_HIDDEN = 64
_D_OUT = 128

_NC = 2
_NS = 16
_L = 16
_NW = _NC * _NS

_BLK = 32000
_NB = _N_EDGES // _BLK

_TILES = _N_EDGES // 128
_TPW = 79
_EPW = _TPW * 128
_VPW = _EPW // _L


def _relpos_body(seg_hbm, ei_hbm, rel_hbm, seg_v, ei_v, rel_v,
                 sem0, sem1):
    wid = lax.axis_index("s") * _NC + lax.axis_index("c")
    t0 = (wid * (_TILES - _TPW)) // (_NW - 1)
    base = t0 * 128
    c0 = pltpu.async_copy(seg_hbm, seg_v, sem0)
    c1 = pltpu.async_copy(ei_hbm.at[:, pl.ds(base, _EPW)], ei_v, sem1)
    c0.wait()
    c1.wait()

    @plsc.parallel_loop(0, _VPW, unroll=4)
    def body(i):
        s = ei_v[0, pl.ds(i * _L, _L)]
        d = ei_v[1, pl.ds(i * _L, _L)]
        ss = plsc.load_gather(seg_v, [s])
        sd = plsc.load_gather(seg_v, [d])
        rel = (s - d).astype(jnp.float32)
        rel_v[pl.ds(i * _L, _L)] = jnp.where(ss == sd, rel, 100000.0)

    pltpu.sync_copy(rel_v, rel_hbm.at[pl.ds(base, _EPW)])


@functools.lru_cache(maxsize=1)
def _relpos_sc():
    return pl.kernel(
        _relpos_body,
        out_type=jax.ShapeDtypeStruct((_N_EDGES,), jnp.float32),
        mesh=plsc.VectorSubcoreMesh(
            core_axis_name="c", subcore_axis_name="s",
            num_cores=_NC, num_subcores=_NS,
        ),
        scratch_types=[
            pltpu.VMEM((_N_NODES,), jnp.int32),
            pltpu.VMEM((2, _EPW), jnp.int32),
            pltpu.VMEM((_EPW,), jnp.float32),
            pltpu.SemaphoreType.DMA,
            pltpu.SemaphoreType.DMA,
        ],
        compiler_params=pltpu.CompilerParams(
            needs_layout_passes=False, disable_bounds_checks=True,
        ),
    )


def _mlp_body(rel_ref, w1h_ref, b1h_ref, w2_ref, b2_ref, out_ref):
    i = pl.program_id(0)
    x = rel_ref[pl.ds(i * _BLK, _BLK)].reshape(_BLK, 1)
    u = x * w1h_ref[...] + b1h_ref[...]
    act = u + u * jnp.tanh(u)
    out_ref[...] = (
        jnp.dot(act.astype(jnp.bfloat16), w2_ref[...],
                preferred_element_type=jnp.float32)
        + b2_ref[...]
    )


def kernel(segment, edge_index, W1, b1, W2, b2):
    seg = segment.reshape(-1)
    rel = _relpos_sc()(seg, edge_index)

    out = pl.pallas_call(
        _mlp_body,
        grid=(_NB,),
        in_specs=[
            pl.BlockSpec((_N_EDGES,), lambda i: (0,)),
            pl.BlockSpec((1, _HIDDEN), lambda i: (0, 0)),
            pl.BlockSpec((1, _HIDDEN), lambda i: (0, 0)),
            pl.BlockSpec((_HIDDEN, _D_OUT), lambda i: (0, 0)),
            pl.BlockSpec((1, _D_OUT), lambda i: (0, 0)),
        ],
        out_specs=pl.BlockSpec((_BLK, _D_OUT), lambda i: (i, 0)),
        out_shape=jax.ShapeDtypeStruct((_N_EDGES, _D_OUT), jnp.float32),
        compiler_params=pltpu.CompilerParams(vmem_limit_bytes=100 * 1024 * 1024),
    )(rel, 0.5 * W1, 0.5 * b1.reshape(1, _HIDDEN),
      W2.astype(jnp.bfloat16), b2.reshape(1, _D_OUT))
    return out

# --- scband reference (transcript-rebuilt; emitter-appended) ---
"""Pipeline reference for scband-relative-position-encoding-9509057593776 (READ-ONLY COPY).

The authoritative reference and input builder live on the scoring server;
editing this copy changes nothing except your own understanding.
"""

import jax, jax.numpy as jnp
import numpy as np

N_NODES = 10000
N_EDGES = 320000
HIDDEN = 64
D_OUT = 128


def setup_inputs(seed: int = 0) -> dict:
    key = jax.random.key(seed)
    k1, k2, k3, k4, k5, k6 = jax.random.split(key, 6)
    segment = jax.random.randint(k1, (N_NODES, 1), 0, 16, dtype=jnp.int32)
    edge_index = jax.random.randint(k2, (2, N_EDGES), 0, N_NODES, dtype=jnp.int32)
    W1 = jax.random.normal(k3, (1, HIDDEN), dtype=jnp.float32) * (1.0 / np.sqrt(1.0))
    b1 = jnp.zeros((HIDDEN,), dtype=jnp.float32)
    W2 = jax.random.normal(k4, (HIDDEN, D_OUT), dtype=jnp.float32) * (1.0 / np.sqrt(HIDDEN))
    b2 = jnp.zeros((D_OUT,), dtype=jnp.float32)
    return {"segment": segment, "edge_index": edge_index, "W1": W1, "b1": b1, "W2": W2, "b2": b2}


def reference(segment, edge_index, W1, b1, W2, b2):
    # relative node-index position along the chain
    src = edge_index[0]
    dst = edge_index[1]
    relative_pos = (src - dst).astype(jnp.float32)
    # mask: both endpoints in the same segment (gather on segment ids)
    seg_src = jnp.take(segment, src, axis=0)  # [E, 1]
    seg_dst = jnp.take(segment, dst, axis=0)  # [E, 1]
    mask = (seg_src == seg_dst).astype(jnp.float32)  # [E, 1]
    relative_pos = mask * relative_pos.reshape(-1, 1) + (1.0 - mask) * 100000.0  # [E, 1]
    # radial encoding: scalar (1x0e) -> D_OUT scalars via MLP with SiLU
    h = relative_pos @ W1 + b1
    h = jax.nn.silu(h)
    output = h @ W2 + b2  # [E, D_OUT]
    return output

if __name__ == "__main__":
    import jax
    _d = setup_inputs()
    print(jax.jit(kernel)(*tuple(_d.values())))

</pallas_src>

<mosaic_0001>
#map = affine_map<(d0, d1) -> (0)>
#map1 = affine_map<(d0, d1) -> (0, 0)>
module attributes {stable_mosaic.version = 14 : i64} {
  func.func @_relpos_body(%arg0: i32, %arg1: i32, %arg2: memref<10000xi32, #tpu.memory_space<hbm>>, %arg3: memref<2x320000xi32, #tpu.memory_space<hbm>>, %arg4: memref<320000xf32, #tpu.memory_space<hbm>>, %arg5: memref<10000xi32, #tpu.memory_space<vmem>>, %arg6: memref<2x10112xi32, #tpu.memory_space<vmem>>, %arg7: memref<10112xf32, #tpu.memory_space<vmem>>, %arg8: memref<!tpu.dma_semaphore, #tpu.memory_space<semaphore_mem>>, %arg9: memref<!tpu.dma_semaphore, #tpu.memory_space<semaphore_mem>>) attributes {dimension_semantics = [#tpu.dimension_semantics<core_parallel>, #tpu.dimension_semantics<subcore_parallel>], iteration_bounds = array<i64: 2, 16>, scalar_prefetch = 0 : i64, scratch_operands = 5 : i64, tpu.core_type = #tpu.core_type<sc_vector_subcore>, window_params = [{transform_indices = #map}, {transform_indices = #map1}, {transform_indices = #map}]} {
    %mul3A = arith.constant 2 : i32
    %mul3A_0 = arith.muli %arg1, %mul3A : i32
    %add3A = arith.addi %mul3A_0, %arg0 : i32
    %mul3A_1 = arith.constant 2421 : i32
    %mul3A_2 = arith.muli %add3A, %mul3A_1 : i32
    %jit3A = arith.constant 31 : i32
    %div3A = arith.divsi %mul3A_2, %jit3A : i32
    %sign3A = arith.constant 0 : i32
    %sign3A_3 = arith.cmpi sgt, %mul3A_2, %sign3A : i32
    %sign3A_4 = arith.extui %sign3A_3 : i1 to i32
    %sign3A_5 = arith.constant 0 : i32
    %sign3A_6 = arith.cmpi slt, %mul3A_2, %sign3A_5 : i32
    %sign3A_7 = arith.extui %sign3A_6 : i1 to i32
    %sign3A_8 = arith.subi %sign3A_4, %sign3A_7 : i32
    %sign3A_9 = arith.constant 0 : i32
    %sign3A_10 = arith.cmpi sgt, %jit3A, %sign3A_9 : i32
    %sign3A_11 = arith.extui %sign3A_10 : i1 to i32
    %sign3A_12 = arith.constant 0 : i32
    %sign3A_13 = arith.cmpi slt, %jit3A, %sign3A_12 : i32
    %sign3A_14 = arith.extui %sign3A_13 : i1 to i32
    %sign3A_15 = arith.subi %sign3A_11, %sign3A_14 : i32
    %ne3A = arith.cmpi ne, %sign3A_8, %sign3A_15 : i32
    %rem3A = arith.remsi %mul3A_2, %jit3A : i32
    %ne3A_16 = arith.constant 0 : i32
    %ne3A_17 = arith.cmpi ne, %rem3A, %ne3A_16 : i32
    %and3A = arith.andi %ne3A, %ne3A_17 : i1
    %sub3A = arith.constant 1 : i32
    %sub3A_18 = arith.subi %div3A, %sub3A : i32
    %select_n3A = arith.select %and3A, %sub3A_18, %div3A : i32
    %mul3A_19 = arith.constant 128 : i32
    %mul3A_20 = arith.muli %select_n3A, %mul3A_19 : i32
    tpu.enqueue_dma source(%arg2 : memref<10000xi32, #tpu.memory_space<hbm>>) target(%arg5 : memref<10000xi32, #tpu.memory_space<vmem>>) target_semaphore(%arg8 : memref<!tpu.dma_semaphore, #tpu.memory_space<semaphore_mem>>)
    %dma_start3A = arith.constant 0 : i32
    %dma_start3A_21 = tpu.memref_slice %arg3[%dma_start3A, %mul3A_20] : memref<2x320000xi32, #tpu.memory_space<hbm>> -> memref<2x10112xi32, #tpu.memory_space<hbm>>
    %dma_start3A_22 = arith.constant 0 : i32
    %dma_start3A_23 = tpu.memref_slice %arg3[%dma_start3A_22, %mul3A_20] : memref<2x320000xi32, #tpu.memory_space<hbm>> -> memref<2x10112xi32, #tpu.memory_space<hbm>>
    tpu.enqueue_dma source(%dma_start3A_23 : memref<2x10112xi32, #tpu.memory_space<hbm>>) target(%arg6 : memref<2x10112xi32, #tpu.memory_space<vmem>>) target_semaphore(%arg9 : memref<!tpu.dma_semaphore, #tpu.memory_space<semaphore_mem>>)
    tpu.wait_dma2 semaphore(%arg8 : memref<!tpu.dma_semaphore, #tpu.memory_space<semaphore_mem>>) src(%arg2 : memref<10000xi32, #tpu.memory_space<hbm>>) dst(%arg5 : memref<10000xi32, #tpu.memory_space<vmem>>)
    %dma_wait3A = arith.constant 0 : i32
    %dma_wait3A_24 = tpu.memref_slice %arg3[%dma_wait3A, %mul3A_20] : memref<2x320000xi32, #tpu.memory_space<hbm>> -> memref<2x10112xi32, #tpu.memory_space<hbm>>
    %dma_wait3A_25 = arith.constant 0 : i32
    %dma_wait3A_26 = tpu.memref_slice %arg3[%dma_wait3A_25, %mul3A_20] : memref<2x320000xi32, #tpu.memory_space<hbm>> -> memref<2x10112xi32, #tpu.memory_space<hbm>>
    tpu.wait_dma2 semaphore(%arg9 : memref<!tpu.dma_semaphore, #tpu.memory_space<semaphore_mem>>) src(%dma_wait3A_26 : memref<2x10112xi32, #tpu.memory_space<hbm>>) dst(%arg6 : memref<2x10112xi32, #tpu.memory_space<vmem>>)
    %parallel_loop3A = arith.constant 0 : i32
    %parallel_loop3A_27 = arith.constant 632 : i32
    %parallel_loop3A_28 = arith.constant 1 : i32
    scf.for %parallel_loop3A_29 = %parallel_loop3A to %parallel_loop3A_27 step %parallel_loop3A_28  : i32 {
      %parallel_loop3A_30 = arith.constant 16 : i32
      %parallel_loop3A_31 = arith.muli %parallel_loop3A_29, %parallel_loop3A_30 : i32
      %parallel_loop3A_32 = arith.constant 0 : i32
      %parallel_loop3A_33 = arith.index_cast %parallel_loop3A_32 : i32 to index
      %parallel_loop3A_34 = arith.index_cast %parallel_loop3A_31 : i32 to index
      %parallel_loop3A_35 = tpu.vector_load %arg6[%parallel_loop3A_33, %parallel_loop3A_34] {strides = array<i32>} : memref<2x10112xi32, #tpu.memory_space<vmem>>, vector<16xi32>,
      %parallel_loop3A_36 = arith.constant 16 : i32
      %parallel_loop3A_37 = arith.muli %parallel_loop3A_29, %parallel_loop3A_36 : i32
      %parallel_loop3A_38 = arith.constant 1 : i32
      %parallel_loop3A_39 = arith.index_cast %parallel_loop3A_38 : i32 to index
      %parallel_loop3A_40 = arith.index_cast %parallel_loop3A_37 : i32 to index
      %parallel_loop3A_41 = tpu.vector_load %arg6[%parallel_loop3A_39, %parallel_loop3A_40] {strides = array<i32>} : memref<2x10112xi32, #tpu.memory_space<vmem>>, vector<16xi32>,
      %parallel_loop3A_42 = tpu.vector_load_idx %arg5[%parallel_loop3A_35] : memref<10000xi32, #tpu.memory_space<vmem>>[vector<16xi32>], vector<16xi32>,
      %parallel_loop3A_43 = tpu.vector_load_idx %arg5[%parallel_loop3A_41] : memref<10000xi32, #tpu.memory_space<vmem>>[vector<16xi32>], vector<16xi32>,
      %parallel_loop3A_44 = arith.subi %parallel_loop3A_35, %parallel_loop3A_41 : vector<16xi32>
      %parallel_loop3A_45 = arith.sitofp %parallel_loop3A_44 : vector<16xi32> to vector<16xf32>
      %parallel_loop3A_46 = arith.cmpi eq, %parallel_loop3A_42, %parallel_loop3A_43 : vector<16xi32>
      %parallel_loop3A_47 = arith.constant 1.000000e+05 : f32
      %parallel_loop3A_48 = vector.broadcast %parallel_loop3A_47 : f32 to vector<16xf32>
      %parallel_loop3A_49 = arith.select %parallel_loop3A_46, %parallel_loop3A_45, %parallel_loop3A_48 : vector<16xi1>, vector<16xf32>
      %parallel_loop3A_50 = arith.constant 16 : i32
      %parallel_loop3A_51 = arith.muli %parallel_loop3A_29, %parallel_loop3A_50 : i32
      %parallel_loop3A_52 = arith.index_cast %parallel_loop3A_51 : i32 to index
      %parallel_loop3A_53 = tpu.vector_load %arg7[%parallel_loop3A_52] {strides = array<i32>} : memref<10112xf32, #tpu.memory_space<vmem>>, vector<16xf32>,
      tpu.vector_store %arg7[%parallel_loop3A_52], %parallel_loop3A_49 {strides = array<i32>} : memref<10112xf32, #tpu.memory_space<vmem>>, vector<16xf32>,
    } {sc.loop_unroll_factor = 4 : i64, sc.parallel_access}
    "tpu.region"() ({
      %run_scoped3A = tpu.sem_alloc : memref<!tpu.dma_semaphore, #tpu.memory_space<semaphore_mem>>
      %dma_start3A_29 = tpu.memref_slice %arg4[%mul3A_20] : memref<320000xf32, #tpu.memory_space<hbm>> -> memref<10112xf32, #tpu.memory_space<hbm>>
      %dma_start3A_30 = tpu.memref_slice %arg4[%mul3A_20] : memref<320000xf32, #tpu.memory_space<hbm>> -> memref<10112xf32, #tpu.memory_space<hbm>>
      tpu.enqueue_dma source(%arg7 : memref<10112xf32, #tpu.memory_space<vmem>>) target(%dma_start3A_30 : memref<10112xf32, #tpu.memory_space<hbm>>) target_semaphore(%run_scoped3A : memref<!tpu.dma_semaphore, #tpu.memory_space<semaphore_mem>>)
      %dma_wait3A_31 = tpu.memref_slice %arg4[%mul3A_20] : memref<320000xf32, #tpu.memory_space<hbm>> -> memref<10112xf32, #tpu.memory_space<hbm>>
      %dma_wait3A_32 = tpu.memref_slice %arg4[%mul3A_20] : memref<320000xf32, #tpu.memory_space<hbm>> -> memref<10112xf32, #tpu.memory_space<hbm>>
      tpu.wait_dma2 semaphore(%run_scoped3A : memref<!tpu.dma_semaphore, #tpu.memory_space<semaphore_mem>>) src(%arg7 : memref<10112xf32, #tpu.memory_space<vmem>>) dst(%dma_wait3A_32 : memref<10112xf32, #tpu.memory_space<hbm>>)
      tpu.yield
    }) : () -> ()
    return
  }
}

module attributes {stable_mosaic.version = 14 : i64} {
  func.func @_mlp_body(%arg0: i32, %arg1: memref<320000xf32, #tpu.memory_space<vmem>>, %arg2: memref<1x64xf32, #tpu.memory_space<vmem>>, %arg3: memref<1x64xf32, #tpu.memory_space<vmem>>, %arg4: memref<64x128xbf16, #tpu.memory_space<vmem>>, %arg5: memref<1x128xf32, #tpu.memory_space<vmem>>, %arg6: memref<32000x128xf32, #tpu.memory_space<vmem>>) attributes {dimension_semantics = [#tpu.dimension_semantics<arbitrary>], iteration_bounds = array<i64: 10>, scalar_prefetch = 0 : i64, scratch_operands = 0 : i64, tpu.core_type = #tpu.core_type<tc>, window_params = [{pipeline_mode = #tpu.pipeline_mode<synchronous>, transform_indices = @transform_0, window_bounds = array<i64: 320000>}, {pipeline_mode = #tpu.pipeline_mode<synchronous>, transform_indices = @transform_1, window_bounds = array<i64: 1, 64>}, {pipeline_mode = #tpu.pipeline_mode<synchronous>, transform_indices = @transform_2, window_bounds = array<i64: 1, 64>}, {pipeline_mode = #tpu.pipeline_mode<synchronous>, transform_indices = @transform_3, window_bounds = array<i64: 64, 128>}, {pipeline_mode = #tpu.pipeline_mode<synchronous>, transform_indices = @transform_4, window_bounds = array<i64: 1, 128>}, {transform_indices = @transform_5, window_bounds = array<i64: 32000, 128>}]} {
    %mul3A = arith.constant 32000 : i32
    %mul3A_0 = arith.muli %arg0, %mul3A : i32
    %get3A = arith.index_cast %mul3A_0 : i32 to index
    %get3A_1 = vector.load %arg1[%get3A] : memref<320000xf32, #tpu.memory_space<vmem>>, vector<32000xf32>
    %reshape3A = vector.shape_cast %get3A_1 : vector<32000xf32> to vector<32000x1xf32>
    %get3A_2 = arith.constant 0 : index
    %get3A_3 = arith.constant 0 : index
    %get3A_4 = vector.load %arg2[%get3A_2, %get3A_3] : memref<1x64xf32, #tpu.memory_space<vmem>>, vector<1x64xf32>
    %mul3A_5 = vector.broadcast %reshape3A : vector<32000x1xf32> to vector<32000x64xf32>
    %mul3A_6 = vector.broadcast %get3A_4 : vector<1x64xf32> to vector<32000x64xf32>
    %mul3A_7 = arith.mulf %mul3A_5, %mul3A_6 : vector<32000x64xf32>
    %get3A_8 = arith.constant 0 : index
    %get3A_9 = arith.constant 0 : index
    %get3A_10 = vector.load %arg3[%get3A_8, %get3A_9] : memref<1x64xf32, #tpu.memory_space<vmem>>, vector<1x64xf32>
    %add3A = vector.broadcast %get3A_10 : vector<1x64xf32> to vector<32000x64xf32>
    %add3A_11 = arith.addf %mul3A_7, %add3A : vector<32000x64xf32>
    %tanh3A = math.tanh %add3A_11 : vector<32000x64xf32>
    %mul3A_12 = arith.mulf %add3A_11, %tanh3A : vector<32000x64xf32>
    %add3A_13 = arith.addf %add3A_11, %mul3A_12 : vector<32000x64xf32>
    %convert_element_type3A = arith.truncf %add3A_13 : vector<32000x64xf32> to vector<32000x64xbf16>
    %get3A_14 = arith.constant 0 : index
    %get3A_15 = arith.constant 0 : index
    %get3A_16 = vector.load %arg4[%get3A_14, %get3A_15] : memref<64x128xbf16, #tpu.memory_space<vmem>>, vector<64x128xbf16>
    %dot_general3A = arith.constant dense<0.000000e+00> : vector<32000x128xf32>
    %dot_general3A_17 = tpu.matmul %convert_element_type3A, %get3A_16, %dot_general3A {dimension_numbers = #tpu.dot_dimension_numbers<[1], [0], [0], [1], [0, 0, 1, 1], [], []>, transpose_lhs_hint = false} : vector<32000x64xbf16>, vector<64x128xbf16>, vector<32000x128xf32> -> vector<32000x128xf32>
    %get3A_18 = arith.constant 0 : index
    %get3A_19 = arith.constant 0 : index
    %get3A_20 = vector.load %arg5[%get3A_18, %get3A_19] : memref<1x128xf32, #tpu.memory_space<vmem>>, vector<1x128xf32>
    %add3A_21 = vector.broadcast %get3A_20 : vector<1x128xf32> to vector<32000x128xf32>
    %add3A_22 = arith.addf %dot_general3A_17, %add3A_21 : vector<32000x128xf32>
    %swap3A = arith.constant 0 : index
    %swap3A_23 = arith.constant 0 : index
    %swap3A_24 = vector.load %arg6[%swap3A, %swap3A_23] : memref<32000x128xf32, #tpu.memory_space<vmem>>, vector<32000x128xf32>
    tpu.vector_store %arg6[%swap3A, %swap3A_23], %add3A_22 {strides = array<i32>} : memref<32000x128xf32, #tpu.memory_space<vmem>>, vector<32000x128xf32>,
    return
  }
  func.func @transform_0(%arg0: i32) -> i32 {
    %c0_i32 = arith.constant 0 : i32
    %c0_i32_0 = arith.constant 0 : i32
    return %c0_i32 : i32
  }
  func.func @transform_1(%arg0: i32) -> (i32, i32) {
    %c0_i32 = arith.constant 0 : i32
    %c0_i32_0 = arith.constant 0 : i32
    %c0_i32_1 = arith.constant 0 : i32
    return %c0_i32, %c0_i32_0 : i32, i32
  }
  func.func @transform_2(%arg0: i32) -> (i32, i32) {
    %c0_i32 = arith.constant 0 : i32
    %c0_i32_0 = arith.constant 0 : i32
    %c0_i32_1 = arith.constant 0 : i32
    return %c0_i32, %c0_i32_0 : i32, i32
  }
  func.func @transform_3(%arg0: i32) -> (i32, i32) {
    %c0_i32 = arith.constant 0 : i32
    %c0_i32_0 = arith.constant 0 : i32
    %c0_i32_1 = arith.constant 0 : i32
    return %c0_i32, %c0_i32_0 : i32, i32
  }
  func.func @transform_4(%arg0: i32) -> (i32, i32) {
    %c0_i32 = arith.constant 0 : i32
    %c0_i32_0 = arith.constant 0 : i32
    %c0_i32_1 = arith.constant 0 : i32
    return %c0_i32, %c0_i32_0 : i32, i32
  }
  func.func @transform_5(%arg0: i32) -> (i32, i32) {
    %c0_i32 = arith.constant 0 : i32
    %c0_i32_0 = arith.constant 0 : i32
    return %arg0, %c0_i32 : i32, i32
  }
}

</mosaic_0001>

<sc_bundles>
// kernel: kernel.4.cloned.1.call-start
scs
__scs_entry_jumppad:
0x0: {  	(pc) =	sbr.rel $0x88, $3  }
0x1: {  	(tag) =	ssettag $0x0;
	lr =	simm.s32 $0x1  }
0x2: {  	[smem:$0x3F9B] =	sst lr;
	_ =	strace $0xD0000000  }
0x3: {  	_ = 	snop  }
0x4: {  	_ = 	snop  }
0x5: {  	_ = 	snop  }
0x6: {  	_ = 	snop  }
0x7: {  	_ = 	snop  }
__scs_overlays_trampoline_lowered:
0x8: {  	[smem:$0x3FAA] =	sst s0  }
0x9: {  	[smem:$0x3FAB] =	sst s1  }
0xa: {  	[smem:$0x3FAC] =	sst s2  }
0xb: {  	[smem:$0x3FAD] =	sst s3  }
0xc: {  	[smem:$0x3FAE] =	sst s4  }
0xd: {  	[smem:$0x3FAF] =	sst s5  }
0xe: {  	[smem:$0x3FB0] =	sst s6  }
0xf: {  	[smem:$0x3FB1] =	sst s7  }
0x10: {  	[smem:$0x3FB2] =	sst s8  }
0x11: {  	[smem:$0x3FB3] =	sst s9;
	s0 =	simm.s32 @!p0 $0x0  }
0x12: {  	s1 =	sld [smem:$0x3F99];
	s0 =	simm.s32 @p0 $0x1  }
0x13: {  	[smem:$0x3FB4] =	sst s0;
	s0 =	simm.s32 @!p1 $0x0  }
0x14: {  	s2 =	sld [smem:$0x3F98];
	s0 =	simm.s32 @p1 $0x1  }
0x15: {  	[smem:$0x3FB5] =	sst s0;
	s0 =	simm.s32 @!p2 $0x0  }
0x16: {  	s3 =	sld [smem:$0x3FDB];
	s0 =	simm.s32 @p2 $0x1  }
0x17: {  	s4 =	simm.s32 $0x1BF5;
	[smem:$0x3FB7] =	sst s0  }
0x18: {  	s0 =	sld [smem:$0x3F9A];
	_ =	swait.ge [sflag:s4], $0x0  }
0x19: {  	s7 =	sld [smem:$0x3F9B]  }
0x1a: {  	s8 =	sadd.s32 $0xFFFFE003, lr  }
0x1b: {  	s9 =	sadd.s32 $0xFFFFFEF7, lr;
	s5 =	simm.s32 $0xFFFFFFFF;
	p2 =	slt.u32 s8, $0xFFFFF086  }
0x1c: {  	p1 =	slt.u32 s9, $0xF7A;
	s5 =	simm.s32 @!p2 $0x0  }
0x1d: {  	s5 =	simm.s32 @p1 $0x1;
	p0 =	seq.s32 s7, s2  }
0x1e: {  	s7 =	smul.u32 @!p0 $0xF7A, s2;
	p2 =	seq.s32 @!p0 s5, $0x0  }
0x1f: {  	s9 =	smul.u32 $0xF7A, s1;
	s8 =	simm.s32 @!p0 $0x1BF5;
	p2 =	por !p2, p0  }
0x20: {  	[sflag:s8] =	ssyncset.s32 @!p0 $0xFFFFF086;
	s6 =	sadd.s32 @!p0 s3, s7;
	s7 =	simm.s32 @!p0 $0x108  }
0x21: {  	s3 =	sadd.s32 s3, s9;
	s6 =	sadd.s32 @!p0 $0x88, s6;
	s7 =	simm.s32 @p2 $0x1082  }
0x22: {  	[simem:s7], [sflag:s8] =	dma.local @!p0 [hbm:s6], $0xF7A  }
0x23: {  	s9 =	sor.u32 $0xD0000000, s2;
	s6 =	simm.s32 $0x108;
	_ =	swait.ge @!p0 [sflag:s8], $0x0  }
0x24: {  	s3 =	sadd.s32 $0x88, s3;
	s6 =	simm.s32 @!p1 $0x1082;
	[sflag:s4] =	ssyncset.s32 $0xFFFFF086  }
0x25: {  	[simem:s6], [sflag:s4] =	dma.local [hbm:s3], $0xF7A  }
0x26: {  	[smem:$0x3F9B] =	sst s1;
	(tag) =	ssettag s2;
	_ =	strace s9  }
0x27: {  	s1 =	sld [smem:$0x3FAB]  }
0x28: {  	s2 =	sld [smem:$0x3FAC]  }
0x29: {  	s4 =	sld [smem:$0x3FAE]  }
0x2a: {  	p0 =	seq.s32 s5, $0x0;
	s5 =	sld [smem:$0x3FAF]  }
0x2b: {  	s6 =	sld [smem:$0x3FB0]  }
0x2c: {  	s7 =	sld [smem:$0x3FB1]  }
0x2d: {  	s3 =	simm.s32 $0x108;
	s8 =	sld [smem:$0x3FB2]  }
0x2e: {  	s3 =	simm.s32 @!p0 $0x1082;
	s9 =	sld [smem:$0x3FB3]  }
0x2f: {  	lr =	sadd.s32 s0, s3;
	s0 =	sld [smem:$0x3FAA]  }
0x30: {  	s3 =	sld [smem:$0x3FAD]  }
0x31: {  	[smem:$0x3FB6] =	sst s10  }
0x32: {  	s10 =	sld [smem:$0x3FB4];
	_ =	sdelay $0x3  }
0x33: {  	p0 =	seq.s32 s10, $0x1;
	s10 =	sld [smem:$0x3FB6];
	_ =	sdelay $0x3  }
0x34: {  	[smem:$0x3FB6] =	sst s10  }
0x35: {  	s10 =	sld [smem:$0x3FB5];
	_ =	sdelay $0x3  }
0x36: {  	p1 =	seq.s32 s10, $0x1;
	s10 =	sld [smem:$0x3FB6];
	_ =	sdelay $0x3  }
0x37: {  	[smem:$0x3FB6] =	sst s10  }
0x38: {  	s10 =	sld [smem:$0x3FB7]  }
0x39: {  	_ = 	snop;
	(pc) =	sbr.ind lr, $3  }
0x3a: {  	_ = 	snop  }
0x3b: {  	_ = 	snop  }
0x3c: {  	p2 =	seq.s32 s10, $0x1;
	s10 =	sld [smem:$0x3FB6]  }
0x3d: {  	_ =	shalt  }
0x3e: {  	_ =	shalt  }
0x3f: {  	_ =	shalt  }
0x40: {  	_ =	shalt  }
0x41: {  	_ =	shalt  }
0x42: {  	_ =	shalt  }
0x43: {  	_ =	shalt  }
0x44: {  	_ =	shalt  }
0x45: {  	_ =	shalt  }
0x46: {  	_ =	shalt  }
0x47: {  	_ =	shalt  }
0x48: {  	_ =	shalt  }
0x49: {  	_ =	shalt  }
0x4a: {  	_ =	shalt  }
0x4b: {  	_ =	shalt  }
0x4c: {  	_ =	shalt  }
0x4d: {  	_ =	shalt  }
0x4e: {  	_ =	shalt  }
0x4f: {  	_ =	shalt  }
0x50: {  	_ =	shalt  }
0x51: {  	_ =	shalt  }
0x52: {  	_ =	shalt  }
0x53: {  	_ =	shalt  }
0x54: {  	_ =	shalt  }
0x55: {  	_ =	shalt  }
0x56: {  	_ =	shalt  }
0x57: {  	_ =	shalt  }
0x58: {  	_ =	shalt  }
0x59: {  	_ =	shalt  }
0x5a: {  	_ =	shalt  }
0x5b: {  	_ =	shalt  }
0x5c: {  	_ =	shalt  }
0x5d: {  	_ =	shalt  }
0x5e: {  	_ =	shalt  }
0x5f: {  	_ =	shalt  }
0x60: {  	_ =	shalt  }
0x61: {  	_ =	shalt  }
0x62: {  	_ =	shalt  }
0x63: {  	_ =	shalt  }
0x64: {  	_ =	shalt  }
0x65: {  	_ =	shalt  }
0x66: {  	_ =	shalt  }
0x67: {  	_ =	shalt  }
0x68: {  	_ =	shalt  }
0x69: {  	_ =	shalt  }
0x6a: {  	_ =	shalt  }
0x6b: {  	_ =	shalt  }
0x6c: {  	_ =	shalt  }
0x6d: {  	_ =	shalt  }
0x6e: {  	_ =	shalt  }
0x6f: {  	_ =	shalt  }
0x70: {  	_ =	shalt  }
0x71: {  	_ =	shalt  }
0x72: {  	_ =	shalt  }
0x73: {  	_ =	shalt  }
0x74: {  	_ =	shalt  }
0x75: {  	_ =	shalt  }
0x76: {  	_ =	shalt  }
0x77: {  	_ =	shalt  }
0x78: {  	_ =	shalt  }
0x79: {  	_ =	shalt  }
0x7a: {  	_ =	shalt  }
0x7b: {  	_ =	shalt  }
0x7c: {  	_ =	shalt  }
0x7d: {  	_ =	shalt  }
0x7e: {  	_ =	shalt  }
0x7f: {  	_ =	shalt  }
0x80: {  	_ =	shalt  }
0x81: {  	_ =	shalt  }
0x82: {  	_ =	shalt  }
0x83: {  	_ =	shalt  }
0x84: {  	_ =	shalt  }
0x85: {  	_ =	shalt  }
0x86: {  	_ =	shalt  }
0x87: {  	_ =	shalt  }
.Lfunc_end0:
.L_simem_size_0:
called_computation_lowered:
.L_overlay_start_0:
0x88: {  	s2 =	sld [smem:$0x3FD9]  }
0x89: {  	s3 =	sld [smem:$0x3FFE];
	_ =	sdelay $0x1  }
0x8a: {  	s1 =	srdreg.scid  }
0x8b: {  	s0 =	sand.u32 $0x1, s1  }
0x8c: {  	s17 =	sshll.u32 s0, $0xA;
	s2 =	sadd.s32 s3, s2  }
0x8d: {  	s2 =	sadd.s32 s2, s17  }
0x8e: {  	[smem:$0x3FC2] =	sst s2  }
0x8f: {  	_ = 	snop  }
0x90: {  	s2 =	sld [smem:$0x3FC8]  }
0x91: {  	s18 =	sld [smem:$0x3FD0];
	(tm) =	ssettm $0x1  }
0x92: {  	s4 =	sld [smem:$0x3FFB];
	_ =	sdelay $0x3  }
0x93: {  	_ =	strace s4  }
0x94: {  	s4 =	sld [smem:$0x3FFC];
	_ =	sdelay $0x3  }
0x95: {  	_ =	strace s4  }
0x96: {  	s4 =	sld [smem:$0x3FFD];
	_ =	sdelay $0x3  }
0x97: {  	_ =	strace s4  }
0x98: {  	_ =	strace $0x8FFFFFFF  }
0x99: {  	s19 =	sld [smem:$0x3FDB];
	_ =	sdelay $0x1  }
0x9a: {  	s5 =	simm.s32 $_scs_section_size  }
0x9b: {  	s6 =	simm.s32 $_size__tile_overlayer_lowered;
	s7 =	simm.s32 $_tile_overlayer_lowered  }
0x9c: {  	s22 =	simm.s32 $0x1BFF;
	s21 =	sshll.u32 s7, $0x1;
	s4 =	sadd.s32 s5, s19  }
0x9d: {  	s8 =	simm.s32 $0x0;
	s20 =	sshll.u32 s6, $0x1;
	s6 =	sadd.s32 s21, s4  }
0x9e: {  	[timem:s8], [sflag:s22] =	dma.local [hbm:s6], s20  }
0x9f: {  	_ =	swait.ge [sflag:s22], s20  }
0xa0: {  	s5 =	ssub.s32 $0x0, s20;
	[sflag:s22] =	ssyncset.done $0x0  }
0xa1: {  	[sflag:s22] =	ssyncadd.s32 s5;
	_ =	sdelay $0x1  }
0xa2: {  	s23 =	simm.s32 $0x1B8B  }
0xa3: {  	_ =	swait.ge [sflag:s23], $0x1  }
0xa4: {  	[sflag:s23] =	ssyncset.done $0x0  }
0xa5: {  	s25 =	simm.s32 $0x1B8E;
	s24 =	sld [smem:$0x3FFE];
	[sflag:s23] =	ssyncadd.s32 $0xFFFFFFFF  }
0xa6: {  	s26 =	simm.s32 $execute0_lowered;
	[smem:$0x3FD2] =	sst s25  }
0xa7: {  	s6 =	sshll.u32 s26, $0x1;
	_ =	strace $0x80000046;
	[dreg:$0x1] =	wrdreg $0xFFFFFFFF  }
0xa8: {  	s28 =	simm.s32 $_size_execute0_lowered;
	s4 =	sadd.s32 s4, s6;
	[dreg:$0x0] =	wrdreg $0x0  }
0xa9: {  	s6 =	sshll.u32 s28, $0x1;
	[dreg:$0x2] =	wrdreg s4  }
0xaa: {  	[dreg:$0x3] =	wrdreg s6  }
0xab: {  	[dreg:$0x4] =	wrdreg $0xC0  }
0xac: {  	_ =	task [dreg:s8], $0x5FFFF  }
0xad: {  	[dreg:$0x1] =	wrdreg $0xFFFFFFFF  }
0xae: {  	[dreg:$0x0] =	wrdreg $0x60  }
0xaf: {  	[dreg:$0x2] =	wrdreg s18  }
0xb0: {  	[dreg:$0x3] =	wrdreg s2  }
0xb1: {  	[dreg:$0x4] =	wrdreg s24  }
0xb2: {  	[dreg:$0x5] =	wrdreg $0x9  }
0xb3: {  	_ =	task.clear_ibuf [dreg:s8], $0x6FFFF;
	_ =	strace $0x90000046  }
0xb4: {  	s29 =	simm.s32 $0x9;
	_ =	strace $0x80000048  }
0xb5: {  	_ =	swait.ge [sflag:s29], $0x1  }
0xb6: {  	[sflag:s29] =	ssyncadd.s32 $0xFFFFFFFF  }
0xb7: {  	_ =	strace $0x90000048  }
0xb8: {  	_ =	sfence  }
0xb9: {  	s30 =	sld [smem:$0x0];
	_ =	sdelay $0x2  }
0xba: {  	s31 =	sshll.u32 s1, $0xD;
	s1 =	sshrl.u32 s1, $0x2  }
0xbb: {  	s3 =	sand.u32 $0x4000, s31;
	s1 =	sadd.s32 s1, s30  }
0xbc: {  	s0 =	sor.u32 s3, s0;
	s1 =	sshll.u32 s1, $0x11  }
0xbd: {  	s0 =	sor.u32 s1, s0  }
0xbe: {  	s0 =	sadd.s32 $0x8F2B, s0  }
0xbf: {  	[sflag:s0] =	ssyncadd.remote.s32 $0x1  }
0xc0: {  	_ =	sfence.sel $0xFFFF  }
0xc1: {  	[dreg:$0x0] =	wrdreg $0xFFFFFFFF;
	(pc) =	sbr.abs _section_cstart, $3  }
0xc2: {  	[dreg:$0x1] =	wrdreg $0xFFFFFFFF  }
0xc3: {  	_ =	task.clear_ibuf [dreg:s8], $0x2FFFF;
	_ =	strace $0x9FFFFFFF  }
0xc4: {  	(tm) =	ssettm $0x7FFFFFFF  }
0xc5: {  	_ =	shalt  }
tec
execute0_lowered:
.L_overlay_start_1:
0x0: {  	(tag) =	ssettag $0x1  }
0x1: {  	s1 =	srdreg.scid  }
0x2: {  	s0 =	stileid.u32;
	s2 =	rddreg [dreg:$0x0]  }
0x3: {  	s5 =	rddreg [dreg:$0x1];
	s4 =	sand.u32 $0x1, s1;
	s29 =	sshll.u32 s0, $0x1  }
0x4: {  	s7 =	rddreg [dreg:$0x2];
	s1 =	sor.u32 s4, s29  }
0x5: {  	s3 =	simm.s32 $0x0;
	s10 =	simm.s32 $0x7680;
	s6 =	smul.u32 $0x975, s1  }
0x6: {  	s11 =	simm.s32 $0x3;
	s12 =	simm.s32 $0x0;
	s4 =	ssub.s32 $0x2, s4  }
0x7: {  	[smem:$0x7FF] =	sst s3;
	s9 =	sshrl.u32 s4, $0x1;
	s6 =	smulhi.u32 $0x8421085, s6  }
0x8: {  	s1 =	rddreg [dreg:$0x3];
	_ =	strace $0x80000047;
	s30 =	ssub.s32 s4, s9  }
0x9: {  	s9 =	simm.s32 $0x2;
	s8 =	sshll.u32 s6, $0x4;
	s31 =	sshll.u32 s6, $0x5  }
0xa: {  	s6 =	smax.u32 s30, $0x1;
	s7 =	sadd.s32 s8, s7;
	s4 =	sadd.s32 s5, s31  }
0xb: {  	s8 =	simm.s32 $0x1;
	s5 =	sadd.s32 $0x600, s7;
	s7 =	simm.s32 $0x2780  }
.LBB2_1:
0xc: {  	[tilespmem:s3], [sflag:$0x1] =	stream.linear.gather [hbm4b:s2+s3], $0x2780, $0x38;
	[tilespmem:$0x9E00] =	vst v63  }
0xd: {  	_ = 	snop  }
0xe: {  	[tilespmem:s7], [sflag:$0x2] =	stream.linear.gather [hbm4b:s4+s3], $0x4F00, $0x38;
	[tilespmem:$0x9E00] =	vst v63  }
0xf: {  	_ =	swait.ge [sflag:s8], $0x2780  }
0x10: {  	[sflag:s8] =	ssyncset.done $0x0  }
0x11: {  	[sflag:s8] =	ssyncadd.s32 $0xFFFFD880  }
0x12: {  	s13 =	sand.u32 $0x40, s3;
	s14 =	sand.u32 $0x7F00, s3;
	_ =	swait.ge [sflag:s9], $0x4F00  }
0x13: {  	s14 =	sadd.s32 $0x2780, s14;
	s17 =	sor.u32 $0x30, s13;
	[sflag:s9] =	ssyncset.done $0x0  }
0x14: {  	s15 =	sor.u32 s17, s14;
	[sflag:s9] =	ssyncadd.s32 $0xFFFFB100  }
0x15: {  	v2 =	vld [tilespmem:s15+$0x0]  }
0x16: {  	s16 =	sor.u32 s13, s14;
	v3 =	vld [tilespmem:s15+$0x80]  }
0x17: {  	s19 =	sor.u32 $0x20, s13;
	v4 =	vld [tilespmem:s16+$0x0]  }
0x18: {  	s18 =	sor.u32 $0x10, s13;
	s13 =	sor.u32 s19, s14;
	v6 =	vld [tilespmem:s16+$0x80]  }
0x19: {  	s26 =	simm.s32 $0x80;
	v9 =	vld [tilespmem:s13+$0x0]  }
0x1a: {  	s25 =	sor.u32 s18, s14;
	v10 =	vld [tilespmem:s13+$0x80];
	s16 =	simm.s32 $0x40;
	s13 =	sand.u32 $0x7F00, s26  }
0x1b: {  	v7 =	vld [tilespmem:s25+$0x0];
	s28 =	sand.u32 $0x40, s16;
	s20 =	sadd.s32 $0x2780, s13  }
0x1c: {  	v8 =	vld [tilespmem:s25+$0x80];
	s15 =	sor.u32 $0x30, s28;
	s21 =	sor.u32 s28, s20  }
0x1d: {  	s13 =	sor.u32 s15, s20;
	v19 =	vld [tilespmem:s21+$0x0]  }
0x1e: {  	v0 =	vld [tilespmem:s13+$0x0]  }
0x1f: {  	v1 =	vld [tilespmem:s13+$0x80];
	s13 =	sor.u32 $0x10, s28  }
0x20: {  	v20 =	vld [tilespmem:s21+$0x80];
	s22 =	sor.u32 s13, s20  }
0x21: {  	v21 =	vld [tilespmem:s22+$0x0]  }
0x22: {  	v5 =	vld [tilespmem:s22+$0x80]  }
0x23: {  	v11 =	vld.idx.msk [tilespmem:v2+s3+$0x0], $0xffff  }
0x24: {  	v12 =	vld.idx.msk [tilespmem:v3+s3+$0x0], $0xffff  }
0x25: {  	v13 =	vld.idx.msk [tilespmem:v4+s3+$0x0], $0xffff  }
0x26: {  	v14 =	vld.idx.msk [tilespmem:v6+s3+$0x0], $0xffff  }
0x27: {  	v15 =	vld.idx.msk [tilespmem:v7+s3+$0x0], $0xffff  }
0x28: {  	v16 =	vld.idx.msk [tilespmem:v8+s3+$0x0], $0xffff  }
0x29: {  	s14 =	sor.u32 $0x20, s28;
	v17 =	vld.idx.msk [tilespmem:v9+s3+$0x0], $0xffff  }
0x2a: {  	s20 =	sor.u32 s14, s20;
	v18 =	vld.idx.msk [tilespmem:v10+s3+$0x0], $0xffff;
	v2 =	vsub.s32 v2, v3  }
0x2b: {  	s29 =	sand.u32 $0x3F80, s3;
	v4 =	vsub.s32 v4, v6;
	v3 =	vld [tilespmem:s20+$0x0];
	v6 =	vsub.s32 v7, v8;
	v2 =	vcvt.s32.f32 v2  }
0x2c: {  	s21 =	sadd.s32 $0x7680, s29;
	v9 =	vsub.s32 v9, v10;
	v8 =	vcvt.s32.f32 v4;
	v4 =	vld [tilespmem:s20+$0x80];
	vm0 =	veq.s32 v11, v12  }
0x2d: {  	s17 =	sor.u32 s17, s21;
	v6 =	vcvt.s32.f32 v6;
	v7 =	vld.idx.msk [tilespmem:v0+s3+$0x0], $0xffff;
	vm13 =	veq.s32 v13, v14;
	v2 =	vnsel vm0, $0x47C35000, v2  }
0x2e: {  	v9 =	vcvt.s32.f32 v9;
	v10 =	vld.idx.msk [tilespmem:v1+s3+$0x0], $0xffff;
	vm14 =	veq.s32 v15, v16;
	v8 =	vnsel vm13, $0x47C35000, v8;
	[tilespmem:s17+$0x0] =	vst v2  }
0x2f: {  	s30 =	sor.u32 s18, s21;
	vm15 =	veq.s32 v17, v18;
	v11 =	vld.idx.msk [tilespmem:v20+s3+$0x0], $0xffff;
	v2 =	vnsel vm14, $0x47C35000, v6;
	[tilespmem:s10+$0x0] =	vst v8  }
0x30: {  	s18 =	simm.s32 $0x4;
	s31 =	sor.u32 s19, s21;
	v8 =	vld.idx.msk [tilespmem:v19+s3+$0x0], $0xffff;
	v6 =	vsub.s32 v19, v20;
	[tilespmem:s30+$0x0] =	vst v2;
	v2 =	vnsel vm15, $0x47C35000, v9;
	v9 =	vsub.s32 v21, v5  }
0x31: {  	s19 =	simm.s32 $0x100;
	s20 =	simm.s32 $0x80;
	v12 =	vsub.s32 v3, v4;
	s17 =	simm.s32 $0x7680;
	v6 =	vcvt.s32.f32 v6;
	[tilespmem:s31+$0x0] =	vst v2;
	v2 =	vcvt.s32.f32 v9;
	v9 =	vld.idx.msk [tilespmem:v21+s3+$0x0], $0xffff  }
.LBB2_2:
0x32: {  	s21 =	sand.u32 $0x40, s20;
	s22 =	sand.u32 $0x7F00, s19;
	v5 =	vld.idx.msk [tilespmem:v5+s3+$0x0], $0xffff;
	s16 =	sand.u32 $0x3F80, s16;
	v12 =	vcvt.s32.f32 v12;
	v0 =	vsub.s32 v0, v1  }
0x33: {  	s18 =	sadd.s32 $0x4, s18;
	s22 =	sadd.s32 $0x2780, s22;
	s23 =	sor.u32 $0x30, s21;
	v3 =	vld.idx.msk [tilespmem:v3+s3+$0x0], $0xffff;
	v1 =	vcvt.s32.f32 v0  }
0x34: {  	p0 =	slt.u32 s18, $0x274;
	s16 =	sadd.s32 $0x7680, s16;
	vm0 =	veq.s32 v7, v10;
	s24 =	sor.u32 s23, s22;
	v4 =	vld.idx.msk [tilespmem:v4+s3+$0x0], $0xffff  }
0x35: {  	s25 =	sor.u32 $0x10, s21;
	s26 =	sor.u32 $0x20, s21;
	s15 =	sor.u32 s15, s16;
	v0 =	vld [tilespmem:s24+$0x0];
	v7 =	vnsel vm0, $0x47C35000, v1  }
0x36: {  	s21 =	sor.u32 s21, s22;
	s28 =	sor.u32 s25, s22;
	s22 =	sor.u32 s26, s22;
	vm0 =	veq.s32 v8, v11;
	v1 =	vld [tilespmem:s24+$0x80];
	[tilespmem:s15+$0x0] =	vst v7  }
0x37: {  	s17 =	sadd.s32 $0x40, s17;
	s29 =	sor.u32 s14, s16;
	v6 =	vnsel vm0, $0x47C35000, v6;
	s24 =	sor.u32 s13, s16;
	v8 =	vld [tilespmem:s21+$0x0]  }
0x38: {  	s14 =	smov.u32 s26;
	s15 =	smov.u32 s23;
	s13 =	smov.u32 s25;
	vm0 =	veq.s32 v9, v5;
	v11 =	vld [tilespmem:s21+$0x80];
	[tilespmem:s17+$0x0] =	vst v6  }
0x39: {  	s16 =	smov.u32 s20;
	v2 =	vnsel vm0, $0x47C35000, v2;
	v9 =	vld [tilespmem:s28+$0x0]  }
0x3a: {  	vm0 =	veq.s32 v3, v4;
	v5 =	vld [tilespmem:s28+$0x80];
	[tilespmem:s24+$0x0] =	vst v2  }
0x3b: {  	v2 =	vnsel vm0, $0x47C35000, v12;
	v3 =	vld [tilespmem:s22+$0x0]  }
0x3c: {  	v4 =	vld [tilespmem:s22+$0x80];
	[tilespmem:s29+$0x0] =	vst v2  }
.Ltmp0:
0x3d: {  	v2 =	vsub.s32 v8, v11;
	v7 =	vld.idx.msk [tilespmem:v0+s3+$0x0], $0xffff;
	(pc) =	sbr.rel @p0 .LBB2_2-.Ltmp0, $4  }
0x3e: {  	v6 =	vcvt.s32.f32 v2;
	v10 =	vld.idx.msk [tilespmem:v1+s3+$0x0], $0xffff  }
0x3f: {  	v8 =	vld.idx.msk [tilespmem:v8+s3+$0x0], $0xffff;
	v2 =	vsub.s32 v9, v5  }
0x40: {  	v11 =	vld.idx.msk [tilespmem:v11+s3+$0x0], $0xffff;
	v2 =	vcvt.s32.f32 v2  }
0x41: {  	s19 =	sadd.s32 $0x80, s19;
	s20 =	sadd.s32 $0x40, s20;
	v9 =	vld.idx.msk [tilespmem:v9+s3+$0x0], $0xffff;
	v12 =	vsub.s32 v3, v4  }
0x42: {  	_ =	sdelay $0x3  }
0x43: {  	v5 =	vld.idx.msk [tilespmem:v5+s3+$0x0], $0xffff  }
0x44: {  	v3 =	vld.idx.msk [tilespmem:v3+s3+$0x0], $0xffff  }
0x45: {  	v0 =	vsub.s32 v0, v1;
	v59 =	vld.idx.msk [tilespmem:v4+s3+$0x0], $0xffff  }
0x46: {  	s16 =	sand.u32 $0x3F80, s16;
	v0 =	vcvt.s32.f32 v0  }
0x47: {  	s16 =	sadd.s32 $0x7680, s16;
	vm0 =	veq.s32 v7, v10  }
0x48: {  	s15 =	sor.u32 s15, s16;
	v0 =	vnsel vm0, $0x47C35000, v0;
	vm13 =	veq.s32 v8, v11  }
0x49: {  	v60 =	vcvt.s32.f32 v12;
	s31 =	sadd.s32 $0x40, s17;
	[tilespmem:s15+$0x0] =	vst v0;
	v61 =	vnsel vm13, $0x47C35000, v6;
	vm14 =	veq.s32 v9, v5  }
0x4a: {  	s12 =	sadd.s32 $0x1, s12;
	s13 =	sor.u32 s13, s16;
	[tilespmem:s31+$0x0] =	vst v61;
	vm15 =	veq.s32 v3, v59;
	v62 =	vnsel vm14, $0x47C35000, v2  }
0x4b: {  	p0 =	sne.s32 s12, s6;
	s14 =	sor.u32 s14, s16;
	v63 =	vnsel vm15, $0x47C35000, v60;
	[tilespmem:s13+$0x0] =	vst v62  }
.Ltmp1:
0x4c: {  	[tilespmem:s14+$0x0] =	vst v63;
	(pc) =	sbr.rel @p0 .LBB2_1-.Ltmp1, $4  }
0x4d: {  	[hbm4b:s5+s3] =	stream.linear.scatter [tilespmem:s10], [sflag:$0x3], $0x2780, $0x38;
	[tilespmem:$0x9E00] =	vst v63  }
0x4e: {  	_ =	swait.ge [sflag:s11], $0x2780  }
0x4f: {  	[sflag:s11] =	ssyncset.done $0x0  }
0x50: {  	[sflag:s11] =	ssyncadd.s32 $0xFFFFD880  }
0x51: {  	_ =	sfence.sel $0x180000  }
0x52: {  	[bflag:$0x0] =	sbarrier.arrive $0xFFFF  }
0x53: {  	p0 =	sne.s32 s0, $0x0;
	_ =	strace $0x90000047  }
0x54: {  	s0 =	sadd.s32 @!p0 $0x100000, s1;
	[bflag:$0x2] =	sbarrier.arrive $0xFFFF  }
0x55: {  	[sflag:s0] =	ssyncadd.tile.s32 @!p0 $0x1;
	_ =	shalt  }
.Lfunc_end2:
_tile_overlayer_lowered:
.L_overlay_start_2:
0x56: {  	(tag) =	ssettag $0x2  }
0x57: {  	s0 =	rddreg [dreg:$0x0];
	s2 =	stileid.u32  }
0x58: {  	s1 =	rddreg [dreg:$0x1];
	p0 =	sne.s32 s2, $0x0  }
0x59: {  	s3 =	rddreg [dreg:$0x2];
	[bflag:$0x3] =	sbarrier.arrive $0xFFFF;
	s2 =	simm.s32 @!p0 $0x1C03  }
0x5a: {  	[timem:s3], [sflag:s2] =	dma.local @!p0 [hbm:s0], s1  }
0x5b: {  	s0 =	simm.s32 @!p0 $0x3  }
0x5c: {  	_ =	swait.ge @!p0 [sflag:s0], s1  }
0x5d: {  	s1 =	ssub.s32 @!p0 $0x0, s1;
	[sflag:s0] =	ssyncset.done @!p0 $0x0  }
0x5e: {  	[sflag:s0] =	ssyncadd.s32 @!p0 s1  }
0x5f: {  	[bflag:$0x3] =	sbarrier.arrive $0xFFFF  }
0x60: {  	_ =	shalt  }

</sc_bundles>
